<compile_context>
chip_gen: v7x
topology: tpu7x:2x2x1
jax: 0.10.2.dev20260603
libtpu: 0.0.44.dev20260713+nightly
codegen_flags: <defaults>
</compile_context>

<pallas_src>
import functools

import jax
import jax.numpy as jnp
from jax import lax
from jax.experimental import pallas as pl
from jax.experimental.pallas import tpu as pltpu
from jax.experimental.pallas import tpu_sc as plsc

NC = 2
NS = 16
NW = NC * NS
NBUF = 5


def _embedding_lookup(idx_t, weight, B0, B1, D):
    chunk = B0 // NW
    n_chunks = B1
    mesh = plsc.VectorSubcoreMesh(core_axis_name="c", subcore_axis_name="s")

    @functools.partial(
        pl.kernel,
        out_type=jax.ShapeDtypeStruct((B0 * B1, D), jnp.float32),
        mesh=mesh,
        scratch_types=[
            pltpu.VMEM((n_chunks, chunk), jnp.int32),
            [pltpu.VMEM((chunk, D), jnp.float32) for _ in range(NBUF)],
            [pltpu.SemaphoreType.DMA for _ in range(NBUF)],
            [pltpu.SemaphoreType.DMA for _ in range(NBUF)],
        ],
    )
    def emb(table_hbm, idx_hbm, out_hbm, idx_v, bufs, gsem, wsem):
        wid = lax.axis_index("s") * NC + lax.axis_index("c")
        col0 = wid * chunk
        pltpu.sync_copy(idx_hbm.at[pl.ds(0, 8), pl.ds(col0, chunk)],
                        idx_v.at[pl.ds(0, 8)])

        def start_gather(c, b):
            pltpu.async_copy(table_hbm.at[idx_v.at[c]], bufs[b], gsem[b])

        def wait_gather(c, b):
            pltpu.make_async_copy(table_hbm.at[idx_v.at[c]],
                                  bufs[b], gsem[b]).wait()

        def start_writeback(c, b):
            pltpu.async_copy(
                bufs[b], out_hbm.at[pl.ds(c * B0 + col0, chunk)], wsem[b]
            )

        def wait_writeback(b):
            pltpu.make_async_copy(
                bufs[b], out_hbm.at[pl.ds(col0, chunk)], wsem[b]
            ).wait()

        for b in range(NBUF):
            start_gather(b, b)
        pltpu.sync_copy(
            idx_hbm.at[pl.ds(8, n_chunks - 8), pl.ds(col0, chunk)],
            idx_v.at[pl.ds(8, n_chunks - 8)])

        @pl.loop(0, n_chunks - NBUF, step=NBUF)
        def _(j):
            for b in range(NBUF):
                wait_gather(j + b, b)
                start_writeback(j + b, b)
            for b in range(NBUF):
                wait_writeback(b)
                start_gather(j + b + NBUF, b)

        last = n_chunks - NBUF
        for b in range(NBUF):
            wait_gather(last + b, b)
            start_writeback(last + b, b)
        for b in range(NBUF):
            wait_writeback(b)

    return emb(weight, idx_t)


def kernel(x, weight):
    B0, B1 = x.shape
    V, D = weight.shape
    assert B0 % NW == 0 and B1 % NBUF == 0 and B0 // NW <= 128
    idx_t = x.T.astype(jnp.int32)
    out = _embedding_lookup(idx_t, weight, B0, B1, D)
    return out.reshape(B1, B0, D).transpose(1, 0, 2)

# --- scband reference (transcript-rebuilt; emitter-appended) ---
"""Pipeline reference for scband-standard-embedding-19997367730520 (READ-ONLY COPY).

The authoritative reference and input builder live on the scoring server;
editing this copy changes nothing except your own understanding.
"""

import jax, jax.numpy as jnp
import numpy as np

NUM_EMBEDDINGS = 100000
EMBED_DIM = 128
PAD_IDX = 0


def setup_inputs(seed: int = 0) -> dict:
    key = jax.random.key(seed)
    k_idx, k_w = jax.random.split(key)
    x = jax.random.randint(k_idx, (4096, 50), 0, NUM_EMBEDDINGS, dtype=jnp.int64 if jax.config.read('jax_enable_x64') else jnp.int32)
    # weight init: normal, with pad_idx row zeroed (matches reset_parameters)
    weight = jax.random.normal(k_w, (NUM_EMBEDDINGS, EMBED_DIM), dtype=jnp.float32)
    weight = weight.at[PAD_IDX].set(0.0)
    return {"x": x, "weight": weight}


def reference(x, weight):
    # torch.nn.functional.embedding(x, weight, padding_idx) forward is a pure gather;
    # padding_idx only affects the backward pass.
    return jnp.take(weight, x, axis=0)

if __name__ == "__main__":
    import jax
    _d = setup_inputs()
    print(jax.jit(kernel)(*tuple(_d.values())))

</pallas_src>

<mosaic_0001>
#map = affine_map<(d0, d1) -> (0, 0)>
module attributes {stable_mosaic.version = 14 : i64} {
  func.func @emb(%arg0: i32, %arg1: i32, %arg2: memref<100000x128xf32, #tpu.memory_space<hbm>>, %arg3: memref<50x4096xi32, #tpu.memory_space<hbm>>, %arg4: memref<204800x128xf32, #tpu.memory_space<hbm>>, %arg5: memref<50x128xi32, #tpu.memory_space<vmem>>, %arg6: memref<128x128xf32, #tpu.memory_space<vmem>>, %arg7: memref<128x128xf32, #tpu.memory_space<vmem>>, %arg8: memref<128x128xf32, #tpu.memory_space<vmem>>, %arg9: memref<128x128xf32, #tpu.memory_space<vmem>>, %arg10: memref<128x128xf32, #tpu.memory_space<vmem>>, %arg11: memref<!tpu.dma_semaphore, #tpu.memory_space<semaphore_mem>>, %arg12: memref<!tpu.dma_semaphore, #tpu.memory_space<semaphore_mem>>, %arg13: memref<!tpu.dma_semaphore, #tpu.memory_space<semaphore_mem>>, %arg14: memref<!tpu.dma_semaphore, #tpu.memory_space<semaphore_mem>>, %arg15: memref<!tpu.dma_semaphore, #tpu.memory_space<semaphore_mem>>, %arg16: memref<!tpu.dma_semaphore, #tpu.memory_space<semaphore_mem>>, %arg17: memref<!tpu.dma_semaphore, #tpu.memory_space<semaphore_mem>>, %arg18: memref<!tpu.dma_semaphore, #tpu.memory_space<semaphore_mem>>, %arg19: memref<!tpu.dma_semaphore, #tpu.memory_space<semaphore_mem>>, %arg20: memref<!tpu.dma_semaphore, #tpu.memory_space<semaphore_mem>>) attributes {dimension_semantics = [#tpu.dimension_semantics<core_parallel>, #tpu.dimension_semantics<subcore_parallel>], iteration_bounds = array<i64: 2, 16>, scalar_prefetch = 0 : i64, scratch_operands = 16 : i64, tpu.core_type = #tpu.core_type<sc_vector_subcore>, window_params = [{transform_indices = #map}, {transform_indices = #map}, {transform_indices = #map}]} {
    %mul3A = arith.constant 2 : i32
    %mul3A_0 = arith.muli %arg1, %mul3A : i32
    %add3A = arith.addi %mul3A_0, %arg0 : i32
    %mul3A_1 = arith.constant 128 : i32
    %mul3A_2 = arith.muli %add3A, %mul3A_1 : i32
    "tpu.region"() ({
      %run_scoped3A = tpu.sem_alloc : memref<!tpu.dma_semaphore, #tpu.memory_space<semaphore_mem>>
      %dma_start3A_125 = arith.constant 0 : i32
      %dma_start3A_126 = arith.constant 0 : i32
      %dma_start3A_127 = tpu.memref_slice %arg5[%dma_start3A_125, %dma_start3A_126] : memref<50x128xi32, #tpu.memory_space<vmem>> -> memref<8x128xi32, #tpu.memory_space<vmem>>
      %dma_start3A_128 = arith.constant 0 : i32
      %dma_start3A_129 = tpu.memref_slice %arg3[%dma_start3A_128, %mul3A_2] : memref<50x4096xi32, #tpu.memory_space<hbm>> -> memref<8x128xi32, #tpu.memory_space<hbm>>
      %dma_start3A_130 = arith.constant 0 : i32
      %dma_start3A_131 = arith.constant 0 : i32
      %dma_start3A_132 = tpu.memref_slice %arg5[%dma_start3A_130, %dma_start3A_131] : memref<50x128xi32, #tpu.memory_space<vmem>> -> memref<8x128xi32, #tpu.memory_space<vmem>>
      %dma_start3A_133 = arith.constant 0 : i32
      %dma_start3A_134 = tpu.memref_slice %arg3[%dma_start3A_133, %mul3A_2] : memref<50x4096xi32, #tpu.memory_space<hbm>> -> memref<8x128xi32, #tpu.memory_space<hbm>>
      tpu.enqueue_dma source(%dma_start3A_134 : memref<8x128xi32, #tpu.memory_space<hbm>>) target(%dma_start3A_132 : memref<8x128xi32, #tpu.memory_space<vmem>>) target_semaphore(%run_scoped3A : memref<!tpu.dma_semaphore, #tpu.memory_space<semaphore_mem>>)
      %dma_wait3A_135 = arith.constant 0 : i32
      %dma_wait3A_136 = arith.constant 0 : i32
      %dma_wait3A_137 = tpu.memref_slice %arg5[%dma_wait3A_135, %dma_wait3A_136] : memref<50x128xi32, #tpu.memory_space<vmem>> -> memref<8x128xi32, #tpu.memory_space<vmem>>
      %dma_wait3A_138 = arith.constant 0 : i32
      %dma_wait3A_139 = tpu.memref_slice %arg3[%dma_wait3A_138, %mul3A_2] : memref<50x4096xi32, #tpu.memory_space<hbm>> -> memref<8x128xi32, #tpu.memory_space<hbm>>
      %dma_wait3A_140 = arith.constant 0 : i32
      %dma_wait3A_141 = arith.constant 0 : i32
      %dma_wait3A_142 = tpu.memref_slice %arg5[%dma_wait3A_140, %dma_wait3A_141] : memref<50x128xi32, #tpu.memory_space<vmem>> -> memref<8x128xi32, #tpu.memory_space<vmem>>
      %dma_wait3A_143 = arith.constant 0 : i32
      %dma_wait3A_144 = tpu.memref_slice %arg3[%dma_wait3A_143, %mul3A_2] : memref<50x4096xi32, #tpu.memory_space<hbm>> -> memref<8x128xi32, #tpu.memory_space<hbm>>
      tpu.wait_dma2 semaphore(%run_scoped3A : memref<!tpu.dma_semaphore, #tpu.memory_space<semaphore_mem>>) src(%dma_wait3A_144 : memref<8x128xi32, #tpu.memory_space<hbm>>) dst(%dma_wait3A_142 : memref<8x128xi32, #tpu.memory_space<vmem>>)
      tpu.yield
    }) : () -> ()
    %dma_start3A = arith.constant 0 : i32
    %dma_start3A_3 = arith.constant 0 : i32
    %dma_start3A_4 = tpu.memref_slice %arg5[%dma_start3A, %dma_start3A_3] : memref<50x128xi32, #tpu.memory_space<vmem>> -> memref<1x128xi32, #tpu.memory_space<vmem>>
    %dma_start3A_5 = tpu.memref_squeeze %dma_start3A_4 : memref<1x128xi32, #tpu.memory_space<vmem>> -> memref<128xi32, #tpu.memory_space<vmem>>
    %dma_start3A_6 = arith.constant 0 : i32
    %dma_start3A_7 = arith.constant 0 : i32
    %dma_start3A_8 = tpu.memref_slice %arg2[%dma_start3A_6, %dma_start3A_7] : memref<100000x128xf32, #tpu.memory_space<hbm>> -> memref<100000x128xf32, #tpu.memory_space<hbm>>
    tpu.enqueue_indirect_dma source(%dma_start3A_8 : memref<100000x128xf32, #tpu.memory_space<hbm>>) target(%arg6 : memref<128x128xf32, #tpu.memory_space<vmem>>) offsets(%dma_start3A_5 : memref<128xi32, #tpu.memory_space<vmem>>) semaphore(%arg11 : memref<!tpu.dma_semaphore, #tpu.memory_space<semaphore_mem>>)
    %dma_start3A_9 = arith.constant 1 : i32
    %dma_start3A_10 = arith.constant 0 : i32
    %dma_start3A_11 = tpu.memref_slice %arg5[%dma_start3A_9, %dma_start3A_10] : memref<50x128xi32, #tpu.memory_space<vmem>> -> memref<1x128xi32, #tpu.memory_space<vmem>>
    %dma_start3A_12 = tpu.memref_squeeze %dma_start3A_11 : memref<1x128xi32, #tpu.memory_space<vmem>> -> memref<128xi32, #tpu.memory_space<vmem>>
    %dma_start3A_13 = arith.constant 0 : i32
    %dma_start3A_14 = arith.constant 0 : i32
    %dma_start3A_15 = tpu.memref_slice %arg2[%dma_start3A_13, %dma_start3A_14] : memref<100000x128xf32, #tpu.memory_space<hbm>> -> memref<100000x128xf32, #tpu.memory_space<hbm>>
    tpu.enqueue_indirect_dma source(%dma_start3A_15 : memref<100000x128xf32, #tpu.memory_space<hbm>>) target(%arg7 : memref<128x128xf32, #tpu.memory_space<vmem>>) offsets(%dma_start3A_12 : memref<128xi32, #tpu.memory_space<vmem>>) semaphore(%arg12 : memref<!tpu.dma_semaphore, #tpu.memory_space<semaphore_mem>>)
    %dma_start3A_16 = arith.constant 2 : i32
    %dma_start3A_17 = arith.constant 0 : i32
    %dma_start3A_18 = tpu.memref_slice %arg5[%dma_start3A_16, %dma_start3A_17] : memref<50x128xi32, #tpu.memory_space<vmem>> -> memref<1x128xi32, #tpu.memory_space<vmem>>
    %dma_start3A_19 = tpu.memref_squeeze %dma_start3A_18 : memref<1x128xi32, #tpu.memory_space<vmem>> -> memref<128xi32, #tpu.memory_space<vmem>>
    %dma_start3A_20 = arith.constant 0 : i32
    %dma_start3A_21 = arith.constant 0 : i32
    %dma_start3A_22 = tpu.memref_slice %arg2[%dma_start3A_20, %dma_start3A_21] : memref<100000x128xf32, #tpu.memory_space<hbm>> -> memref<100000x128xf32, #tpu.memory_space<hbm>>
    tpu.enqueue_indirect_dma source(%dma_start3A_22 : memref<100000x128xf32, #tpu.memory_space<hbm>>) target(%arg8 : memref<128x128xf32, #tpu.memory_space<vmem>>) offsets(%dma_start3A_19 : memref<128xi32, #tpu.memory_space<vmem>>) semaphore(%arg13 : memref<!tpu.dma_semaphore, #tpu.memory_space<semaphore_mem>>)
    %dma_start3A_23 = arith.constant 3 : i32
    %dma_start3A_24 = arith.constant 0 : i32
    %dma_start3A_25 = tpu.memref_slice %arg5[%dma_start3A_23, %dma_start3A_24] : memref<50x128xi32, #tpu.memory_space<vmem>> -> memref<1x128xi32, #tpu.memory_space<vmem>>
    %dma_start3A_26 = tpu.memref_squeeze %dma_start3A_25 : memref<1x128xi32, #tpu.memory_space<vmem>> -> memref<128xi32, #tpu.memory_space<vmem>>
    %dma_start3A_27 = arith.constant 0 : i32
    %dma_start3A_28 = arith.constant 0 : i32
    %dma_start3A_29 = tpu.memref_slice %arg2[%dma_start3A_27, %dma_start3A_28] : memref<100000x128xf32, #tpu.memory_space<hbm>> -> memref<100000x128xf32, #tpu.memory_space<hbm>>
    tpu.enqueue_indirect_dma source(%dma_start3A_29 : memref<100000x128xf32, #tpu.memory_space<hbm>>) target(%arg9 : memref<128x128xf32, #tpu.memory_space<vmem>>) offsets(%dma_start3A_26 : memref<128xi32, #tpu.memory_space<vmem>>) semaphore(%arg14 : memref<!tpu.dma_semaphore, #tpu.memory_space<semaphore_mem>>)
    %dma_start3A_30 = arith.constant 4 : i32
    %dma_start3A_31 = arith.constant 0 : i32
    %dma_start3A_32 = tpu.memref_slice %arg5[%dma_start3A_30, %dma_start3A_31] : memref<50x128xi32, #tpu.memory_space<vmem>> -> memref<1x128xi32, #tpu.memory_space<vmem>>
    %dma_start3A_33 = tpu.memref_squeeze %dma_start3A_32 : memref<1x128xi32, #tpu.memory_space<vmem>> -> memref<128xi32, #tpu.memory_space<vmem>>
    %dma_start3A_34 = arith.constant 0 : i32
    %dma_start3A_35 = arith.constant 0 : i32
    %dma_start3A_36 = tpu.memref_slice %arg2[%dma_start3A_34, %dma_start3A_35] : memref<100000x128xf32, #tpu.memory_space<hbm>> -> memref<100000x128xf32, #tpu.memory_space<hbm>>
    tpu.enqueue_indirect_dma source(%dma_start3A_36 : memref<100000x128xf32, #tpu.memory_space<hbm>>) target(%arg10 : memref<128x128xf32, #tpu.memory_space<vmem>>) offsets(%dma_start3A_33 : memref<128xi32, #tpu.memory_space<vmem>>) semaphore(%arg15 : memref<!tpu.dma_semaphore, #tpu.memory_space<semaphore_mem>>)
    "tpu.region"() ({
      %run_scoped3A = tpu.sem_alloc : memref<!tpu.dma_semaphore, #tpu.memory_space<semaphore_mem>>
      %dma_start3A_125 = arith.constant 8 : i32
      %dma_start3A_126 = arith.constant 0 : i32
      %dma_start3A_127 = tpu.memref_slice %arg5[%dma_start3A_125, %dma_start3A_126] : memref<50x128xi32, #tpu.memory_space<vmem>> -> memref<42x128xi32, #tpu.memory_space<vmem>>
      %dma_start3A_128 = arith.constant 8 : i32
      %dma_start3A_129 = tpu.memref_slice %arg3[%dma_start3A_128, %mul3A_2] : memref<50x4096xi32, #tpu.memory_space<hbm>> -> memref<42x128xi32, #tpu.memory_space<hbm>>
      %dma_start3A_130 = arith.constant 8 : i32
      %dma_start3A_131 = arith.constant 0 : i32
      %dma_start3A_132 = tpu.memref_slice %arg5[%dma_start3A_130, %dma_start3A_131] : memref<50x128xi32, #tpu.memory_space<vmem>> -> memref<42x128xi32, #tpu.memory_space<vmem>>
      %dma_start3A_133 = arith.constant 8 : i32
      %dma_start3A_134 = tpu.memref_slice %arg3[%dma_start3A_133, %mul3A_2] : memref<50x4096xi32, #tpu.memory_space<hbm>> -> memref<42x128xi32, #tpu.memory_space<hbm>>
      tpu.enqueue_dma source(%dma_start3A_134 : memref<42x128xi32, #tpu.memory_space<hbm>>) target(%dma_start3A_132 : memref<42x128xi32, #tpu.memory_space<vmem>>) target_semaphore(%run_scoped3A : memref<!tpu.dma_semaphore, #tpu.memory_space<semaphore_mem>>)
      %dma_wait3A_135 = arith.constant 8 : i32
      %dma_wait3A_136 = arith.constant 0 : i32
      %dma_wait3A_137 = tpu.memref_slice %arg5[%dma_wait3A_135, %dma_wait3A_136] : memref<50x128xi32, #tpu.memory_space<vmem>> -> memref<42x128xi32, #tpu.memory_space<vmem>>
      %dma_wait3A_138 = arith.constant 8 : i32
      %dma_wait3A_139 = tpu.memref_slice %arg3[%dma_wait3A_138, %mul3A_2] : memref<50x4096xi32, #tpu.memory_space<hbm>> -> memref<42x128xi32, #tpu.memory_space<hbm>>
      %dma_wait3A_140 = arith.constant 8 : i32
      %dma_wait3A_141 = arith.constant 0 : i32
      %dma_wait3A_142 = tpu.memref_slice %arg5[%dma_wait3A_140, %dma_wait3A_141] : memref<50x128xi32, #tpu.memory_space<vmem>> -> memref<42x128xi32, #tpu.memory_space<vmem>>
      %dma_wait3A_143 = arith.constant 8 : i32
      %dma_wait3A_144 = tpu.memref_slice %arg3[%dma_wait3A_143, %mul3A_2] : memref<50x4096xi32, #tpu.memory_space<hbm>> -> memref<42x128xi32, #tpu.memory_space<hbm>>
      tpu.wait_dma2 semaphore(%run_scoped3A : memref<!tpu.dma_semaphore, #tpu.memory_space<semaphore_mem>>) src(%dma_wait3A_144 : memref<42x128xi32, #tpu.memory_space<hbm>>) dst(%dma_wait3A_142 : memref<42x128xi32, #tpu.memory_space<vmem>>)
      tpu.yield
    }) : () -> ()
    %scan3A = arith.constant 0 : i32
    %scan3A_37 = arith.constant 9 : i32
    %scan3A_38 = arith.addi %scan3A, %scan3A_37 : i32
    %scan3A_39 = arith.constant 1 : i32
    scf.for %scan3A_125 = %scan3A to %scan3A_38 step %scan3A_39  : i32 {
      %mul3A_126 = arith.constant 5 : i32
      %mul3A_127 = arith.muli %scan3A_125, %mul3A_126 : i32
      %add3A_128 = arith.constant 0 : i32
      %add3A_129 = arith.addi %add3A_128, %mul3A_127 : i32
      %add3A_130 = arith.constant 0 : i32
      %add3A_131 = arith.addi %add3A_129, %add3A_130 : i32
      %dma_wait3A_132 = arith.constant 0 : i32
      %dma_wait3A_133 = tpu.memref_slice %arg5[%add3A_131, %dma_wait3A_132] : memref<50x128xi32, #tpu.memory_space<vmem>> -> memref<1x128xi32, #tpu.memory_space<vmem>>
      %dma_wait3A_134 = tpu.memref_squeeze %dma_wait3A_133 : memref<1x128xi32, #tpu.memory_space<vmem>> -> memref<128xi32, #tpu.memory_space<vmem>>
      %dma_wait3A_135 = arith.constant 0 : i32
      %dma_wait3A_136 = arith.constant 0 : i32
      %dma_wait3A_137 = tpu.memref_slice %arg2[%dma_wait3A_135, %dma_wait3A_136] : memref<100000x128xf32, #tpu.memory_space<hbm>> -> memref<100000x128xf32, #tpu.memory_space<hbm>>
      tpu.wait_indirect_dma semaphore(%arg11 : memref<!tpu.dma_semaphore, #tpu.memory_space<semaphore_mem>>) src(%dma_wait3A_137 : memref<100000x128xf32, #tpu.memory_space<hbm>>) dst(%arg6 : memref<128x128xf32, #tpu.memory_space<vmem>>)
      %add3A_138 = arith.constant 0 : i32
      %add3A_139 = arith.addi %add3A_129, %add3A_138 : i32
      %mul3A_140 = arith.constant 4096 : i32
      %mul3A_141 = arith.muli %add3A_139, %mul3A_140 : i32
      %add3A_142 = arith.addi %mul3A_141, %mul3A_2 : i32
      %dma_start3A_143 = arith.constant 0 : i32
      %dma_start3A_144 = tpu.memref_slice %arg4[%add3A_142, %dma_start3A_143] : memref<204800x128xf32, #tpu.memory_space<hbm>> -> memref<128x128xf32, #tpu.memory_space<hbm>>
      %dma_start3A_145 = arith.constant 0 : i32
      %dma_start3A_146 = tpu.memref_slice %arg4[%add3A_142, %dma_start3A_145] : memref<204800x128xf32, #tpu.memory_space<hbm>> -> memref<128x128xf32, #tpu.memory_space<hbm>>
      tpu.enqueue_dma source(%arg6 : memref<128x128xf32, #tpu.memory_space<vmem>>) target(%dma_start3A_146 : memref<128x128xf32, #tpu.memory_space<hbm>>) target_semaphore(%arg16 : memref<!tpu.dma_semaphore, #tpu.memory_space<semaphore_mem>>)
      %add3A_147 = arith.constant 1 : i32
      %add3A_148 = arith.addi %add3A_129, %add3A_147 : i32
      %dma_wait3A_149 = arith.constant 0 : i32
      %dma_wait3A_150 = tpu.memref_slice %arg5[%add3A_148, %dma_wait3A_149] : memref<50x128xi32, #tpu.memory_space<vmem>> -> memref<1x128xi32, #tpu.memory_space<vmem>>
      %dma_wait3A_151 = tpu.memref_squeeze %dma_wait3A_150 : memref<1x128xi32, #tpu.memory_space<vmem>> -> memref<128xi32, #tpu.memory_space<vmem>>
      %dma_wait3A_152 = arith.constant 0 : i32
      %dma_wait3A_153 = arith.constant 0 : i32
      %dma_wait3A_154 = tpu.memref_slice %arg2[%dma_wait3A_152, %dma_wait3A_153] : memref<100000x128xf32, #tpu.memory_space<hbm>> -> memref<100000x128xf32, #tpu.memory_space<hbm>>
      tpu.wait_indirect_dma semaphore(%arg12 : memref<!tpu.dma_semaphore, #tpu.memory_space<semaphore_mem>>) src(%dma_wait3A_154 : memref<100000x128xf32, #tpu.memory_space<hbm>>) dst(%arg7 : memref<128x128xf32, #tpu.memory_space<vmem>>)
      %add3A_155 = arith.constant 1 : i32
      %add3A_156 = arith.addi %add3A_129, %add3A_155 : i32
      %mul3A_157 = arith.constant 4096 : i32
      %mul3A_158 = arith.muli %add3A_156, %mul3A_157 : i32
      %add3A_159 = arith.addi %mul3A_158, %mul3A_2 : i32
      %dma_start3A_160 = arith.constant 0 : i32
      %dma_start3A_161 = tpu.memref_slice %arg4[%add3A_159, %dma_start3A_160] : memref<204800x128xf32, #tpu.memory_space<hbm>> -> memref<128x128xf32, #tpu.memory_space<hbm>>
      %dma_start3A_162 = arith.constant 0 : i32
      %dma_start3A_163 = tpu.memref_slice %arg4[%add3A_159, %dma_start3A_162] : memref<204800x128xf32, #tpu.memory_space<hbm>> -> memref<128x128xf32, #tpu.memory_space<hbm>>
      tpu.enqueue_dma source(%arg7 : memref<128x128xf32, #tpu.memory_space<vmem>>) target(%dma_start3A_163 : memref<128x128xf32, #tpu.memory_space<hbm>>) target_semaphore(%arg17 : memref<!tpu.dma_semaphore, #tpu.memory_space<semaphore_mem>>)
      %add3A_164 = arith.constant 2 : i32
      %add3A_165 = arith.addi %add3A_129, %add3A_164 : i32
      %dma_wait3A_166 = arith.constant 0 : i32
      %dma_wait3A_167 = tpu.memref_slice %arg5[%add3A_165, %dma_wait3A_166] : memref<50x128xi32, #tpu.memory_space<vmem>> -> memref<1x128xi32, #tpu.memory_space<vmem>>
      %dma_wait3A_168 = tpu.memref_squeeze %dma_wait3A_167 : memref<1x128xi32, #tpu.memory_space<vmem>> -> memref<128xi32, #tpu.memory_space<vmem>>
      %dma_wait3A_169 = arith.constant 0 : i32
      %dma_wait3A_170 = arith.constant 0 : i32
      %dma_wait3A_171 = tpu.memref_slice %arg2[%dma_wait3A_169, %dma_wait3A_170] : memref<100000x128xf32, #tpu.memory_space<hbm>> -> memref<100000x128xf32, #tpu.memory_space<hbm>>
      tpu.wait_indirect_dma semaphore(%arg13 : memref<!tpu.dma_semaphore, #tpu.memory_space<semaphore_mem>>) src(%dma_wait3A_171 : memref<100000x128xf32, #tpu.memory_space<hbm>>) dst(%arg8 : memref<128x128xf32, #tpu.memory_space<vmem>>)
      %add3A_172 = arith.constant 2 : i32
      %add3A_173 = arith.addi %add3A_129, %add3A_172 : i32
      %mul3A_174 = arith.constant 4096 : i32
      %mul3A_175 = arith.muli %add3A_173, %mul3A_174 : i32
      %add3A_176 = arith.addi %mul3A_175, %mul3A_2 : i32
      %dma_start3A_177 = arith.constant 0 : i32
      %dma_start3A_178 = tpu.memref_slice %arg4[%add3A_176, %dma_start3A_177] : memref<204800x128xf32, #tpu.memory_space<hbm>> -> memref<128x128xf32, #tpu.memory_space<hbm>>
      %dma_start3A_179 = arith.constant 0 : i32
      %dma_start3A_180 = tpu.memref_slice %arg4[%add3A_176, %dma_start3A_179] : memref<204800x128xf32, #tpu.memory_space<hbm>> -> memref<128x128xf32, #tpu.memory_space<hbm>>
      tpu.enqueue_dma source(%arg8 : memref<128x128xf32, #tpu.memory_space<vmem>>) target(%dma_start3A_180 : memref<128x128xf32, #tpu.memory_space<hbm>>) target_semaphore(%arg18 : memref<!tpu.dma_semaphore, #tpu.memory_space<semaphore_mem>>)
      %add3A_181 = arith.constant 3 : i32
      %add3A_182 = arith.addi %add3A_129, %add3A_181 : i32
      %dma_wait3A_183 = arith.constant 0 : i32
      %dma_wait3A_184 = tpu.memref_slice %arg5[%add3A_182, %dma_wait3A_183] : memref<50x128xi32, #tpu.memory_space<vmem>> -> memref<1x128xi32, #tpu.memory_space<vmem>>
      %dma_wait3A_185 = tpu.memref_squeeze %dma_wait3A_184 : memref<1x128xi32, #tpu.memory_space<vmem>> -> memref<128xi32, #tpu.memory_space<vmem>>
      %dma_wait3A_186 = arith.constant 0 : i32
      %dma_wait3A_187 = arith.constant 0 : i32
      %dma_wait3A_188 = tpu.memref_slice %arg2[%dma_wait3A_186, %dma_wait3A_187] : memref<100000x128xf32, #tpu.memory_space<hbm>> -> memref<100000x128xf32, #tpu.memory_space<hbm>>
      tpu.wait_indirect_dma semaphore(%arg14 : memref<!tpu.dma_semaphore, #tpu.memory_space<semaphore_mem>>) src(%dma_wait3A_188 : memref<100000x128xf32, #tpu.memory_space<hbm>>) dst(%arg9 : memref<128x128xf32, #tpu.memory_space<vmem>>)
      %add3A_189 = arith.constant 3 : i32
      %add3A_190 = arith.addi %add3A_129, %add3A_189 : i32
      %mul3A_191 = arith.constant 4096 : i32
      %mul3A_192 = arith.muli %add3A_190, %mul3A_191 : i32
      %add3A_193 = arith.addi %mul3A_192, %mul3A_2 : i32
      %dma_start3A_194 = arith.constant 0 : i32
      %dma_start3A_195 = tpu.memref_slice %arg4[%add3A_193, %dma_start3A_194] : memref<204800x128xf32, #tpu.memory_space<hbm>> -> memref<128x128xf32, #tpu.memory_space<hbm>>
      %dma_start3A_196 = arith.constant 0 : i32
      %dma_start3A_197 = tpu.memref_slice %arg4[%add3A_193, %dma_start3A_196] : memref<204800x128xf32, #tpu.memory_space<hbm>> -> memref<128x128xf32, #tpu.memory_space<hbm>>
      tpu.enqueue_dma source(%arg9 : memref<128x128xf32, #tpu.memory_space<vmem>>) target(%dma_start3A_197 : memref<128x128xf32, #tpu.memory_space<hbm>>) target_semaphore(%arg19 : memref<!tpu.dma_semaphore, #tpu.memory_space<semaphore_mem>>)
      %add3A_198 = arith.constant 4 : i32
      %add3A_199 = arith.addi %add3A_129, %add3A_198 : i32
      %dma_wait3A_200 = arith.constant 0 : i32
      %dma_wait3A_201 = tpu.memref_slice %arg5[%add3A_199, %dma_wait3A_200] : memref<50x128xi32, #tpu.memory_space<vmem>> -> memref<1x128xi32, #tpu.memory_space<vmem>>
      %dma_wait3A_202 = tpu.memref_squeeze %dma_wait3A_201 : memref<1x128xi32, #tpu.memory_space<vmem>> -> memref<128xi32, #tpu.memory_space<vmem>>
      %dma_wait3A_203 = arith.constant 0 : i32
      %dma_wait3A_204 = arith.constant 0 : i32
      %dma_wait3A_205 = tpu.memref_slice %arg2[%dma_wait3A_203, %dma_wait3A_204] : memref<100000x128xf32, #tpu.memory_space<hbm>> -> memref<100000x128xf32, #tpu.memory_space<hbm>>
      tpu.wait_indirect_dma semaphore(%arg15 : memref<!tpu.dma_semaphore, #tpu.memory_space<semaphore_mem>>) src(%dma_wait3A_205 : memref<100000x128xf32, #tpu.memory_space<hbm>>) dst(%arg10 : memref<128x128xf32, #tpu.memory_space<vmem>>)
      %add3A_206 = arith.constant 4 : i32
      %add3A_207 = arith.addi %add3A_129, %add3A_206 : i32
      %mul3A_208 = arith.constant 4096 : i32
      %mul3A_209 = arith.muli %add3A_207, %mul3A_208 : i32
      %add3A_210 = arith.addi %mul3A_209, %mul3A_2 : i32
      %dma_start3A_211 = arith.constant 0 : i32
      %dma_start3A_212 = tpu.memref_slice %arg4[%add3A_210, %dma_start3A_211] : memref<204800x128xf32, #tpu.memory_space<hbm>> -> memref<128x128xf32, #tpu.memory_space<hbm>>
      %dma_start3A_213 = arith.constant 0 : i32
      %dma_start3A_214 = tpu.memref_slice %arg4[%add3A_210, %dma_start3A_213] : memref<204800x128xf32, #tpu.memory_space<hbm>> -> memref<128x128xf32, #tpu.memory_space<hbm>>
      tpu.enqueue_dma source(%arg10 : memref<128x128xf32, #tpu.memory_space<vmem>>) target(%dma_start3A_214 : memref<128x128xf32, #tpu.memory_space<hbm>>) target_semaphore(%arg20 : memref<!tpu.dma_semaphore, #tpu.memory_space<semaphore_mem>>)
      %dma_wait3A_215 = arith.constant 0 : i32
      %dma_wait3A_216 = tpu.memref_slice %arg4[%mul3A_2, %dma_wait3A_215] : memref<204800x128xf32, #tpu.memory_space<hbm>> -> memref<128x128xf32, #tpu.memory_space<hbm>>
      %dma_wait3A_217 = arith.constant 0 : i32
      %dma_wait3A_218 = tpu.memref_slice %arg4[%mul3A_2, %dma_wait3A_217] : memref<204800x128xf32, #tpu.memory_space<hbm>> -> memref<128x128xf32, #tpu.memory_space<hbm>>
      tpu.wait_dma2 semaphore(%arg16 : memref<!tpu.dma_semaphore, #tpu.memory_space<semaphore_mem>>) src(%arg6 : memref<128x128xf32, #tpu.memory_space<vmem>>) dst(%dma_wait3A_218 : memref<128x128xf32, #tpu.memory_space<hbm>>)
      %add3A_219 = arith.constant 0 : i32
      %add3A_220 = arith.addi %add3A_129, %add3A_219 : i32
      %add3A_221 = arith.constant 5 : i32
      %add3A_222 = arith.addi %add3A_220, %add3A_221 : i32
      %dma_start3A_223 = arith.constant 0 : i32
      %dma_start3A_224 = tpu.memref_slice %arg5[%add3A_222, %dma_start3A_223] : memref<50x128xi32, #tpu.memory_space<vmem>> -> memref<1x128xi32, #tpu.memory_space<vmem>>
      %dma_start3A_225 = tpu.memref_squeeze %dma_start3A_224 : memref<1x128xi32, #tpu.memory_space<vmem>> -> memref<128xi32, #tpu.memory_space<vmem>>
      %dma_start3A_226 = arith.constant 0 : i32
      %dma_start3A_227 = arith.constant 0 : i32
      %dma_start3A_228 = tpu.memref_slice %arg2[%dma_start3A_226, %dma_start3A_227] : memref<100000x128xf32, #tpu.memory_space<hbm>> -> memref<100000x128xf32, #tpu.memory_space<hbm>>
      tpu.enqueue_indirect_dma source(%dma_start3A_228 : memref<100000x128xf32, #tpu.memory_space<hbm>>) target(%arg6 : memref<128x128xf32, #tpu.memory_space<vmem>>) offsets(%dma_start3A_225 : memref<128xi32, #tpu.memory_space<vmem>>) semaphore(%arg11 : memref<!tpu.dma_semaphore, #tpu.memory_space<semaphore_mem>>)
      %dma_wait3A_229 = arith.constant 0 : i32
      %dma_wait3A_230 = tpu.memref_slice %arg4[%mul3A_2, %dma_wait3A_229] : memref<204800x128xf32, #tpu.memory_space<hbm>> -> memref<128x128xf32, #tpu.memory_space<hbm>>
      %dma_wait3A_231 = arith.constant 0 : i32
      %dma_wait3A_232 = tpu.memref_slice %arg4[%mul3A_2, %dma_wait3A_231] : memref<204800x128xf32, #tpu.memory_space<hbm>> -> memref<128x128xf32, #tpu.memory_space<hbm>>
      tpu.wait_dma2 semaphore(%arg17 : memref<!tpu.dma_semaphore, #tpu.memory_space<semaphore_mem>>) src(%arg7 : memref<128x128xf32, #tpu.memory_space<vmem>>) dst(%dma_wait3A_232 : memref<128x128xf32, #tpu.memory_space<hbm>>)
      %add3A_233 = arith.constant 1 : i32
      %add3A_234 = arith.addi %add3A_129, %add3A_233 : i32
      %add3A_235 = arith.constant 5 : i32
      %add3A_236 = arith.addi %add3A_234, %add3A_235 : i32
      %dma_start3A_237 = arith.constant 0 : i32
      %dma_start3A_238 = tpu.memref_slice %arg5[%add3A_236, %dma_start3A_237] : memref<50x128xi32, #tpu.memory_space<vmem>> -> memref<1x128xi32, #tpu.memory_space<vmem>>
      %dma_start3A_239 = tpu.memref_squeeze %dma_start3A_238 : memref<1x128xi32, #tpu.memory_space<vmem>> -> memref<128xi32, #tpu.memory_space<vmem>>
      %dma_start3A_240 = arith.constant 0 : i32
      %dma_start3A_241 = arith.constant 0 : i32
      %dma_start3A_242 = tpu.memref_slice %arg2[%dma_start3A_240, %dma_start3A_241] : memref<100000x128xf32, #tpu.memory_space<hbm>> -> memref<100000x128xf32, #tpu.memory_space<hbm>>
      tpu.enqueue_indirect_dma source(%dma_start3A_242 : memref<100000x128xf32, #tpu.memory_space<hbm>>) target(%arg7 : memref<128x128xf32, #tpu.memory_space<vmem>>) offsets(%dma_start3A_239 : memref<128xi32, #tpu.memory_space<vmem>>) semaphore(%arg12 : memref<!tpu.dma_semaphore, #tpu.memory_space<semaphore_mem>>)
      %dma_wait3A_243 = arith.constant 0 : i32
      %dma_wait3A_244 = tpu.memref_slice %arg4[%mul3A_2, %dma_wait3A_243] : memref<204800x128xf32, #tpu.memory_space<hbm>> -> memref<128x128xf32, #tpu.memory_space<hbm>>
      %dma_wait3A_245 = arith.constant 0 : i32
      %dma_wait3A_246 = tpu.memref_slice %arg4[%mul3A_2, %dma_wait3A_245] : memref<204800x128xf32, #tpu.memory_space<hbm>> -> memref<128x128xf32, #tpu.memory_space<hbm>>
      tpu.wait_dma2 semaphore(%arg18 : memref<!tpu.dma_semaphore, #tpu.memory_space<semaphore_mem>>) src(%arg8 : memref<128x128xf32, #tpu.memory_space<vmem>>) dst(%dma_wait3A_246 : memref<128x128xf32, #tpu.memory_space<hbm>>)
      %add3A_247 = arith.constant 2 : i32
      %add3A_248 = arith.addi %add3A_129, %add3A_247 : i32
      %add3A_249 = arith.constant 5 : i32
      %add3A_250 = arith.addi %add3A_248, %add3A_249 : i32
      %dma_start3A_251 = arith.constant 0 : i32
      %dma_start3A_252 = tpu.memref_slice %arg5[%add3A_250, %dma_start3A_251] : memref<50x128xi32, #tpu.memory_space<vmem>> -> memref<1x128xi32, #tpu.memory_space<vmem>>
      %dma_start3A_253 = tpu.memref_squeeze %dma_start3A_252 : memref<1x128xi32, #tpu.memory_space<vmem>> -> memref<128xi32, #tpu.memory_space<vmem>>
      %dma_start3A_254 = arith.constant 0 : i32
      %dma_start3A_255 = arith.constant 0 : i32
      %dma_start3A_256 = tpu.memref_slice %arg2[%dma_start3A_254, %dma_start3A_255] : memref<100000x128xf32, #tpu.memory_space<hbm>> -> memref<100000x128xf32, #tpu.memory_space<hbm>>
      tpu.enqueue_indirect_dma source(%dma_start3A_256 : memref<100000x128xf32, #tpu.memory_space<hbm>>) target(%arg8 : memref<128x128xf32, #tpu.memory_space<vmem>>) offsets(%dma_start3A_253 : memref<128xi32, #tpu.memory_space<vmem>>) semaphore(%arg13 : memref<!tpu.dma_semaphore, #tpu.memory_space<semaphore_mem>>)
      %dma_wait3A_257 = arith.constant 0 : i32
      %dma_wait3A_258 = tpu.memref_slice %arg4[%mul3A_2, %dma_wait3A_257] : memref<204800x128xf32, #tpu.memory_space<hbm>> -> memref<128x128xf32, #tpu.memory_space<hbm>>
      %dma_wait3A_259 = arith.constant 0 : i32
      %dma_wait3A_260 = tpu.memref_slice %arg4[%mul3A_2, %dma_wait3A_259] : memref<204800x128xf32, #tpu.memory_space<hbm>> -> memref<128x128xf32, #tpu.memory_space<hbm>>
      tpu.wait_dma2 semaphore(%arg19 : memref<!tpu.dma_semaphore, #tpu.memory_space<semaphore_mem>>) src(%arg9 : memref<128x128xf32, #tpu.memory_space<vmem>>) dst(%dma_wait3A_260 : memref<128x128xf32, #tpu.memory_space<hbm>>)
      %add3A_261 = arith.constant 3 : i32
      %add3A_262 = arith.addi %add3A_129, %add3A_261 : i32
      %add3A_263 = arith.constant 5 : i32
      %add3A_264 = arith.addi %add3A_262, %add3A_263 : i32
      %dma_start3A_265 = arith.constant 0 : i32
      %dma_start3A_266 = tpu.memref_slice %arg5[%add3A_264, %dma_start3A_265] : memref<50x128xi32, #tpu.memory_space<vmem>> -> memref<1x128xi32, #tpu.memory_space<vmem>>
      %dma_start3A_267 = tpu.memref_squeeze %dma_start3A_266 : memref<1x128xi32, #tpu.memory_space<vmem>> -> memref<128xi32, #tpu.memory_space<vmem>>
      %dma_start3A_268 = arith.constant 0 : i32
      %dma_start3A_269 = arith.constant 0 : i32
      %dma_start3A_270 = tpu.memref_slice %arg2[%dma_start3A_268, %dma_start3A_269] : memref<100000x128xf32, #tpu.memory_space<hbm>> -> memref<100000x128xf32, #tpu.memory_space<hbm>>
      tpu.enqueue_indirect_dma source(%dma_start3A_270 : memref<100000x128xf32, #tpu.memory_space<hbm>>) target(%arg9 : memref<128x128xf32, #tpu.memory_space<vmem>>) offsets(%dma_start3A_267 : memref<128xi32, #tpu.memory_space<vmem>>) semaphore(%arg14 : memref<!tpu.dma_semaphore, #tpu.memory_space<semaphore_mem>>)
      %dma_wait3A_271 = arith.constant 0 : i32
      %dma_wait3A_272 = tpu.memref_slice %arg4[%mul3A_2, %dma_wait3A_271] : memref<204800x128xf32, #tpu.memory_space<hbm>> -> memref<128x128xf32, #tpu.memory_space<hbm>>
      %dma_wait3A_273 = arith.constant 0 : i32
      %dma_wait3A_274 = tpu.memref_slice %arg4[%mul3A_2, %dma_wait3A_273] : memref<204800x128xf32, #tpu.memory_space<hbm>> -> memref<128x128xf32, #tpu.memory_space<hbm>>
      tpu.wait_dma2 semaphore(%arg20 : memref<!tpu.dma_semaphore, #tpu.memory_space<semaphore_mem>>) src(%arg10 : memref<128x128xf32, #tpu.memory_space<vmem>>) dst(%dma_wait3A_274 : memref<128x128xf32, #tpu.memory_space<hbm>>)
      %add3A_275 = arith.constant 4 : i32
      %add3A_276 = arith.addi %add3A_129, %add3A_275 : i32
      %add3A_277 = arith.constant 5 : i32
      %add3A_278 = arith.addi %add3A_276, %add3A_277 : i32
      %dma_start3A_279 = arith.constant 0 : i32
      %dma_start3A_280 = tpu.memref_slice %arg5[%add3A_278, %dma_start3A_279] : memref<50x128xi32, #tpu.memory_space<vmem>> -> memref<1x128xi32, #tpu.memory_space<vmem>>
      %dma_start3A_281 = tpu.memref_squeeze %dma_start3A_280 : memref<1x128xi32, #tpu.memory_space<vmem>> -> memref<128xi32, #tpu.memory_space<vmem>>
      %dma_start3A_282 = arith.constant 0 : i32
      %dma_start3A_283 = arith.constant 0 : i32
      %dma_start3A_284 = tpu.memref_slice %arg2[%dma_start3A_282, %dma_start3A_283] : memref<100000x128xf32, #tpu.memory_space<hbm>> -> memref<100000x128xf32, #tpu.memory_space<hbm>>
      tpu.enqueue_indirect_dma source(%dma_start3A_284 : memref<100000x128xf32, #tpu.memory_space<hbm>>) target(%arg10 : memref<128x128xf32, #tpu.memory_space<vmem>>) offsets(%dma_start3A_281 : memref<128xi32, #tpu.memory_space<vmem>>) semaphore(%arg15 : memref<!tpu.dma_semaphore, #tpu.memory_space<semaphore_mem>>)
    }
    %scan3A_40 = arith.constant 9 : i32
    %dma_wait3A = arith.constant 45 : i32
    %dma_wait3A_41 = arith.constant 0 : i32
    %dma_wait3A_42 = tpu.memref_slice %arg5[%dma_wait3A, %dma_wait3A_41] : memref<50x128xi32, #tpu.memory_space<vmem>> -> memref<1x128xi32, #tpu.memory_space<vmem>>
    %dma_wait3A_43 = tpu.memref_squeeze %dma_wait3A_42 : memref<1x128xi32, #tpu.memory_space<vmem>> -> memref<128xi32, #tpu.memory_space<vmem>>
    %dma_wait3A_44 = arith.constant 0 : i32
    %dma_wait3A_45 = arith.constant 0 : i32
    %dma_wait3A_46 = tpu.memref_slice %arg2[%dma_wait3A_44, %dma_wait3A_45] : memref<100000x128xf32, #tpu.memory_space<hbm>> -> memref<100000x128xf32, #tpu.memory_space<hbm>>
    tpu.wait_indirect_dma semaphore(%arg11 : memref<!tpu.dma_semaphore, #tpu.memory_space<semaphore_mem>>) src(%dma_wait3A_46 : memref<100000x128xf32, #tpu.memory_space<hbm>>) dst(%arg6 : memref<128x128xf32, #tpu.memory_space<vmem>>)
    %add3A_47 = arith.constant 184320 : i32
    %add3A_48 = arith.addi %add3A_47, %mul3A_2 : i32
    %dma_start3A_49 = arith.constant 0 : i32
    %dma_start3A_50 = tpu.memref_slice %arg4[%add3A_48, %dma_start3A_49] : memref<204800x128xf32, #tpu.memory_space<hbm>> -> memref<128x128xf32, #tpu.memory_space<hbm>>
    %dma_start3A_51 = arith.constant 0 : i32
    %dma_start3A_52 = tpu.memref_slice %arg4[%add3A_48, %dma_start3A_51] : memref<204800x128xf32, #tpu.memory_space<hbm>> -> memref<128x128xf32, #tpu.memory_space<hbm>>
    tpu.enqueue_dma source(%arg6 : memref<128x128xf32, #tpu.memory_space<vmem>>) target(%dma_start3A_52 : memref<128x128xf32, #tpu.memory_space<hbm>>) target_semaphore(%arg16 : memref<!tpu.dma_semaphore, #tpu.memory_space<semaphore_mem>>)
    %dma_wait3A_53 = arith.constant 46 : i32
    %dma_wait3A_54 = arith.constant 0 : i32
    %dma_wait3A_55 = tpu.memref_slice %arg5[%dma_wait3A_53, %dma_wait3A_54] : memref<50x128xi32, #tpu.memory_space<vmem>> -> memref<1x128xi32, #tpu.memory_space<vmem>>
    %dma_wait3A_56 = tpu.memref_squeeze %dma_wait3A_55 : memref<1x128xi32, #tpu.memory_space<vmem>> -> memref<128xi32, #tpu.memory_space<vmem>>
    %dma_wait3A_57 = arith.constant 0 : i32
    %dma_wait3A_58 = arith.constant 0 : i32
    %dma_wait3A_59 = tpu.memref_slice %arg2[%dma_wait3A_57, %dma_wait3A_58] : memref<100000x128xf32, #tpu.memory_space<hbm>> -> memref<100000x128xf32, #tpu.memory_space<hbm>>
    tpu.wait_indirect_dma semaphore(%arg12 : memref<!tpu.dma_semaphore, #tpu.memory_space<semaphore_mem>>) src(%dma_wait3A_59 : memref<100000x128xf32, #tpu.memory_space<hbm>>) dst(%arg7 : memref<128x128xf32, #tpu.memory_space<vmem>>)
    %add3A_60 = arith.constant 188416 : i32
    %add3A_61 = arith.addi %add3A_60, %mul3A_2 : i32
    %dma_start3A_62 = arith.constant 0 : i32
    %dma_start3A_63 = tpu.memref_slice %arg4[%add3A_61, %dma_start3A_62] : memref<204800x128xf32, #tpu.memory_space<hbm>> -> memref<128x128xf32, #tpu.memory_space<hbm>>
    %dma_start3A_64 = arith.constant 0 : i32
    %dma_start3A_65 = tpu.memref_slice %arg4[%add3A_61, %dma_start3A_64] : memref<204800x128xf32, #tpu.memory_space<hbm>> -> memref<128x128xf32, #tpu.memory_space<hbm>>
    tpu.enqueue_dma source(%arg7 : memref<128x128xf32, #tpu.memory_space<vmem>>) target(%dma_start3A_65 : memref<128x128xf32, #tpu.memory_space<hbm>>) target_semaphore(%arg17 : memref<!tpu.dma_semaphore, #tpu.memory_space<semaphore_mem>>)
    %dma_wait3A_66 = arith.constant 47 : i32
    %dma_wait3A_67 = arith.constant 0 : i32
    %dma_wait3A_68 = tpu.memref_slice %arg5[%dma_wait3A_66, %dma_wait3A_67] : memref<50x128xi32, #tpu.memory_space<vmem>> -> memref<1x128xi32, #tpu.memory_space<vmem>>
    %dma_wait3A_69 = tpu.memref_squeeze %dma_wait3A_68 : memref<1x128xi32, #tpu.memory_space<vmem>> -> memref<128xi32, #tpu.memory_space<vmem>>
    %dma_wait3A_70 = arith.constant 0 : i32
    %dma_wait3A_71 = arith.constant 0 : i32
    %dma_wait3A_72 = tpu.memref_slice %arg2[%dma_wait3A_70, %dma_wait3A_71] : memref<100000x128xf32, #tpu.memory_space<hbm>> -> memref<100000x128xf32, #tpu.memory_space<hbm>>
    tpu.wait_indirect_dma semaphore(%arg13 : memref<!tpu.dma_semaphore, #tpu.memory_space<semaphore_mem>>) src(%dma_wait3A_72 : memref<100000x128xf32, #tpu.memory_space<hbm>>) dst(%arg8 : memref<128x128xf32, #tpu.memory_space<vmem>>)
    %add3A_73 = arith.constant 192512 : i32
    %add3A_74 = arith.addi %add3A_73, %mul3A_2 : i32
    %dma_start3A_75 = arith.constant 0 : i32
    %dma_start3A_76 = tpu.memref_slice %arg4[%add3A_74, %dma_start3A_75] : memref<204800x128xf32, #tpu.memory_space<hbm>> -> memref<128x128xf32, #tpu.memory_space<hbm>>
    %dma_start3A_77 = arith.constant 0 : i32
    %dma_start3A_78 = tpu.memref_slice %arg4[%add3A_74, %dma_start3A_77] : memref<204800x128xf32, #tpu.memory_space<hbm>> -> memref<128x128xf32, #tpu.memory_space<hbm>>
    tpu.enqueue_dma source(%arg8 : memref<128x128xf32, #tpu.memory_space<vmem>>) target(%dma_start3A_78 : memref<128x128xf32, #tpu.memory_space<hbm>>) target_semaphore(%arg18 : memref<!tpu.dma_semaphore, #tpu.memory_space<semaphore_mem>>)
    %dma_wait3A_79 = arith.constant 48 : i32
    %dma_wait3A_80 = arith.constant 0 : i32
    %dma_wait3A_81 = tpu.memref_slice %arg5[%dma_wait3A_79, %dma_wait3A_80] : memref<50x128xi32, #tpu.memory_space<vmem>> -> memref<1x128xi32, #tpu.memory_space<vmem>>
    %dma_wait3A_82 = tpu.memref_squeeze %dma_wait3A_81 : memref<1x128xi32, #tpu.memory_space<vmem>> -> memref<128xi32, #tpu.memory_space<vmem>>
    %dma_wait3A_83 = arith.constant 0 : i32
    %dma_wait3A_84 = arith.constant 0 : i32
    %dma_wait3A_85 = tpu.memref_slice %arg2[%dma_wait3A_83, %dma_wait3A_84] : memref<100000x128xf32, #tpu.memory_space<hbm>> -> memref<100000x128xf32, #tpu.memory_space<hbm>>
    tpu.wait_indirect_dma semaphore(%arg14 : memref<!tpu.dma_semaphore, #tpu.memory_space<semaphore_mem>>) src(%dma_wait3A_85 : memref<100000x128xf32, #tpu.memory_space<hbm>>) dst(%arg9 : memref<128x128xf32, #tpu.memory_space<vmem>>)
    %add3A_86 = arith.constant 196608 : i32
    %add3A_87 = arith.addi %add3A_86, %mul3A_2 : i32
    %dma_start3A_88 = arith.constant 0 : i32
    %dma_start3A_89 = tpu.memref_slice %arg4[%add3A_87, %dma_start3A_88] : memref<204800x128xf32, #tpu.memory_space<hbm>> -> memref<128x128xf32, #tpu.memory_space<hbm>>
    %dma_start3A_90 = arith.constant 0 : i32
    %dma_start3A_91 = tpu.memref_slice %arg4[%add3A_87, %dma_start3A_90] : memref<204800x128xf32, #tpu.memory_space<hbm>> -> memref<128x128xf32, #tpu.memory_space<hbm>>
    tpu.enqueue_dma source(%arg9 : memref<128x128xf32, #tpu.memory_space<vmem>>) target(%dma_start3A_91 : memref<128x128xf32, #tpu.memory_space<hbm>>) target_semaphore(%arg19 : memref<!tpu.dma_semaphore, #tpu.memory_space<semaphore_mem>>)
    %dma_wait3A_92 = arith.constant 49 : i32
    %dma_wait3A_93 = arith.constant 0 : i32
    %dma_wait3A_94 = tpu.memref_slice %arg5[%dma_wait3A_92, %dma_wait3A_93] : memref<50x128xi32, #tpu.memory_space<vmem>> -> memref<1x128xi32, #tpu.memory_space<vmem>>
    %dma_wait3A_95 = tpu.memref_squeeze %dma_wait3A_94 : memref<1x128xi32, #tpu.memory_space<vmem>> -> memref<128xi32, #tpu.memory_space<vmem>>
    %dma_wait3A_96 = arith.constant 0 : i32
    %dma_wait3A_97 = arith.constant 0 : i32
    %dma_wait3A_98 = tpu.memref_slice %arg2[%dma_wait3A_96, %dma_wait3A_97] : memref<100000x128xf32, #tpu.memory_space<hbm>> -> memref<100000x128xf32, #tpu.memory_space<hbm>>
    tpu.wait_indirect_dma semaphore(%arg15 : memref<!tpu.dma_semaphore, #tpu.memory_space<semaphore_mem>>) src(%dma_wait3A_98 : memref<100000x128xf32, #tpu.memory_space<hbm>>) dst(%arg10 : memref<128x128xf32, #tpu.memory_space<vmem>>)
    %add3A_99 = arith.constant 200704 : i32
    %add3A_100 = arith.addi %add3A_99, %mul3A_2 : i32
    %dma_start3A_101 = arith.constant 0 : i32
    %dma_start3A_102 = tpu.memref_slice %arg4[%add3A_100, %dma_start3A_101] : memref<204800x128xf32, #tpu.memory_space<hbm>> -> memref<128x128xf32, #tpu.memory_space<hbm>>
    %dma_start3A_103 = arith.constant 0 : i32
    %dma_start3A_104 = tpu.memref_slice %arg4[%add3A_100, %dma_start3A_103] : memref<204800x128xf32, #tpu.memory_space<hbm>> -> memref<128x128xf32, #tpu.memory_space<hbm>>
    tpu.enqueue_dma source(%arg10 : memref<128x128xf32, #tpu.memory_space<vmem>>) target(%dma_start3A_104 : memref<128x128xf32, #tpu.memory_space<hbm>>) target_semaphore(%arg20 : memref<!tpu.dma_semaphore, #tpu.memory_space<semaphore_mem>>)
    %dma_wait3A_105 = arith.constant 0 : i32
    %dma_wait3A_106 = tpu.memref_slice %arg4[%mul3A_2, %dma_wait3A_105] : memref<204800x128xf32, #tpu.memory_space<hbm>> -> memref<128x128xf32, #tpu.memory_space<hbm>>
    %dma_wait3A_107 = arith.constant 0 : i32
    %dma_wait3A_108 = tpu.memref_slice %arg4[%mul3A_2, %dma_wait3A_107] : memref<204800x128xf32, #tpu.memory_space<hbm>> -> memref<128x128xf32, #tpu.memory_space<hbm>>
    tpu.wait_dma2 semaphore(%arg16 : memref<!tpu.dma_semaphore, #tpu.memory_space<semaphore_mem>>) src(%arg6 : memref<128x128xf32, #tpu.memory_space<vmem>>) dst(%dma_wait3A_108 : memref<128x128xf32, #tpu.memory_space<hbm>>)
    %dma_wait3A_109 = arith.constant 0 : i32
    %dma_wait3A_110 = tpu.memref_slice %arg4[%mul3A_2, %dma_wait3A_109] : memref<204800x128xf32, #tpu.memory_space<hbm>> -> memref<128x128xf32, #tpu.memory_space<hbm>>
    %dma_wait3A_111 = arith.constant 0 : i32
    %dma_wait3A_112 = tpu.memref_slice %arg4[%mul3A_2, %dma_wait3A_111] : memref<204800x128xf32, #tpu.memory_space<hbm>> -> memref<128x128xf32, #tpu.memory_space<hbm>>
    tpu.wait_dma2 semaphore(%arg17 : memref<!tpu.dma_semaphore, #tpu.memory_space<semaphore_mem>>) src(%arg7 : memref<128x128xf32, #tpu.memory_space<vmem>>) dst(%dma_wait3A_112 : memref<128x128xf32, #tpu.memory_space<hbm>>)
    %dma_wait3A_113 = arith.constant 0 : i32
    %dma_wait3A_114 = tpu.memref_slice %arg4[%mul3A_2, %dma_wait3A_113] : memref<204800x128xf32, #tpu.memory_space<hbm>> -> memref<128x128xf32, #tpu.memory_space<hbm>>
    %dma_wait3A_115 = arith.constant 0 : i32
    %dma_wait3A_116 = tpu.memref_slice %arg4[%mul3A_2, %dma_wait3A_115] : memref<204800x128xf32, #tpu.memory_space<hbm>> -> memref<128x128xf32, #tpu.memory_space<hbm>>
    tpu.wait_dma2 semaphore(%arg18 : memref<!tpu.dma_semaphore, #tpu.memory_space<semaphore_mem>>) src(%arg8 : memref<128x128xf32, #tpu.memory_space<vmem>>) dst(%dma_wait3A_116 : memref<128x128xf32, #tpu.memory_space<hbm>>)
    %dma_wait3A_117 = arith.constant 0 : i32
    %dma_wait3A_118 = tpu.memref_slice %arg4[%mul3A_2, %dma_wait3A_117] : memref<204800x128xf32, #tpu.memory_space<hbm>> -> memref<128x128xf32, #tpu.memory_space<hbm>>
    %dma_wait3A_119 = arith.constant 0 : i32
    %dma_wait3A_120 = tpu.memref_slice %arg4[%mul3A_2, %dma_wait3A_119] : memref<204800x128xf32, #tpu.memory_space<hbm>> -> memref<128x128xf32, #tpu.memory_space<hbm>>
    tpu.wait_dma2 semaphore(%arg19 : memref<!tpu.dma_semaphore, #tpu.memory_space<semaphore_mem>>) src(%arg9 : memref<128x128xf32, #tpu.memory_space<vmem>>) dst(%dma_wait3A_120 : memref<128x128xf32, #tpu.memory_space<hbm>>)
    %dma_wait3A_121 = arith.constant 0 : i32
    %dma_wait3A_122 = tpu.memref_slice %arg4[%mul3A_2, %dma_wait3A_121] : memref<204800x128xf32, #tpu.memory_space<hbm>> -> memref<128x128xf32, #tpu.memory_space<hbm>>
    %dma_wait3A_123 = arith.constant 0 : i32
    %dma_wait3A_124 = tpu.memref_slice %arg4[%mul3A_2, %dma_wait3A_123] : memref<204800x128xf32, #tpu.memory_space<hbm>> -> memref<128x128xf32, #tpu.memory_space<hbm>>
    tpu.wait_dma2 semaphore(%arg20 : memref<!tpu.dma_semaphore, #tpu.memory_space<semaphore_mem>>) src(%arg10 : memref<128x128xf32, #tpu.memory_space<vmem>>) dst(%dma_wait3A_124 : memref<128x128xf32, #tpu.memory_space<hbm>>)
    return
  }
}

</mosaic_0001>

<sc_bundles>
// kernel: kernel.3.cloned.1.call-start
scs
__scs_entry_jumppad:
0x0: {  	(pc) =	sbr.rel $0x88, $3  }
0x1: {  	(tag) =	ssettag $0x0;
	lr =	simm.s32 $0x1  }
0x2: {  	[smem:$0x3F9F] =	sst lr;
	_ =	strace $0xD0000000  }
0x3: {  	_ = 	snop  }
0x4: {  	_ = 	snop  }
0x5: {  	_ = 	snop  }
0x6: {  	_ = 	snop  }
0x7: {  	_ = 	snop  }
__scs_overlays_trampoline_lowered:
0x8: {  	[smem:$0x3FAE] =	sst s0  }
0x9: {  	[smem:$0x3FAF] =	sst s1  }
0xa: {  	[smem:$0x3FB0] =	sst s2  }
0xb: {  	[smem:$0x3FB1] =	sst s3  }
0xc: {  	[smem:$0x3FB2] =	sst s4  }
0xd: {  	[smem:$0x3FB3] =	sst s5  }
0xe: {  	[smem:$0x3FB4] =	sst s6  }
0xf: {  	[smem:$0x3FB5] =	sst s7  }
0x10: {  	[smem:$0x3FB6] =	sst s8  }
0x11: {  	[smem:$0x3FB7] =	sst s9;
	s0 =	simm.s32 @!p0 $0x0  }
0x12: {  	s1 =	sld [smem:$0x3F9D];
	s0 =	simm.s32 @p0 $0x1  }
0x13: {  	[smem:$0x3FB8] =	sst s0;
	s0 =	simm.s32 @!p1 $0x0  }
0x14: {  	s2 =	sld [smem:$0x3F9C];
	s0 =	simm.s32 @p1 $0x1  }
0x15: {  	[smem:$0x3FB9] =	sst s0;
	s0 =	simm.s32 @!p2 $0x0  }
0x16: {  	s3 =	sld [smem:$0x3FDB];
	s0 =	simm.s32 @p2 $0x1  }
0x17: {  	s4 =	simm.s32 $0x1BF5;
	[smem:$0x3FBB] =	sst s0  }
0x18: {  	s0 =	sld [smem:$0x3F9E];
	_ =	swait.ge [sflag:s4], $0x0  }
0x19: {  	s7 =	sld [smem:$0x3F9F]  }
0x1a: {  	s8 =	sadd.s32 $0xFFFFE003, lr  }
0x1b: {  	s9 =	sadd.s32 $0xFFFFFEF7, lr;
	s5 =	simm.s32 $0xFFFFFFFF;
	p2 =	slt.u32 s8, $0xFFFFF086  }
0x1c: {  	p1 =	slt.u32 s9, $0xF7A;
	s5 =	simm.s32 @!p2 $0x0  }
0x1d: {  	s5 =	simm.s32 @p1 $0x1;
	p0 =	seq.s32 s7, s2  }
0x1e: {  	s7 =	smul.u32 @!p0 $0xF7A, s2;
	p2 =	seq.s32 @!p0 s5, $0x0  }
0x1f: {  	s9 =	smul.u32 $0xF7A, s1;
	s8 =	simm.s32 @!p0 $0x1BF5;
	p2 =	por !p2, p0  }
0x20: {  	[sflag:s8] =	ssyncset.s32 @!p0 $0xFFFFF086;
	s6 =	sadd.s32 @!p0 s3, s7;
	s7 =	simm.s32 @!p0 $0x108  }
0x21: {  	s3 =	sadd.s32 s3, s9;
	s6 =	sadd.s32 @!p0 $0x88, s6;
	s7 =	simm.s32 @p2 $0x1082  }
0x22: {  	[simem:s7], [sflag:s8] =	dma.local @!p0 [hbm:s6], $0xF7A  }
0x23: {  	s9 =	sor.u32 $0xD0000000, s2;
	s6 =	simm.s32 $0x108;
	_ =	swait.ge @!p0 [sflag:s8], $0x0  }
0x24: {  	s3 =	sadd.s32 $0x88, s3;
	s6 =	simm.s32 @!p1 $0x1082;
	[sflag:s4] =	ssyncset.s32 $0xFFFFF086  }
0x25: {  	[simem:s6], [sflag:s4] =	dma.local [hbm:s3], $0xF7A  }
0x26: {  	[smem:$0x3F9F] =	sst s1;
	(tag) =	ssettag s2;
	_ =	strace s9  }
0x27: {  	s1 =	sld [smem:$0x3FAF]  }
0x28: {  	s2 =	sld [smem:$0x3FB0]  }
0x29: {  	s4 =	sld [smem:$0x3FB2]  }
0x2a: {  	p0 =	seq.s32 s5, $0x0;
	s5 =	sld [smem:$0x3FB3]  }
0x2b: {  	s6 =	sld [smem:$0x3FB4]  }
0x2c: {  	s7 =	sld [smem:$0x3FB5]  }
0x2d: {  	s3 =	simm.s32 $0x108;
	s8 =	sld [smem:$0x3FB6]  }
0x2e: {  	s3 =	simm.s32 @!p0 $0x1082;
	s9 =	sld [smem:$0x3FB7]  }
0x2f: {  	lr =	sadd.s32 s0, s3;
	s0 =	sld [smem:$0x3FAE]  }
0x30: {  	s3 =	sld [smem:$0x3FB1]  }
0x31: {  	[smem:$0x3FBA] =	sst s10  }
0x32: {  	s10 =	sld [smem:$0x3FB8];
	_ =	sdelay $0x3  }
0x33: {  	p0 =	seq.s32 s10, $0x1;
	s10 =	sld [smem:$0x3FBA];
	_ =	sdelay $0x3  }
0x34: {  	[smem:$0x3FBA] =	sst s10  }
0x35: {  	s10 =	sld [smem:$0x3FB9];
	_ =	sdelay $0x3  }
0x36: {  	p1 =	seq.s32 s10, $0x1;
	s10 =	sld [smem:$0x3FBA];
	_ =	sdelay $0x3  }
0x37: {  	[smem:$0x3FBA] =	sst s10  }
0x38: {  	s10 =	sld [smem:$0x3FBB]  }
0x39: {  	_ = 	snop;
	(pc) =	sbr.ind lr, $3  }
0x3a: {  	_ = 	snop  }
0x3b: {  	_ = 	snop  }
0x3c: {  	p2 =	seq.s32 s10, $0x1;
	s10 =	sld [smem:$0x3FBA]  }
0x3d: {  	_ =	shalt  }
0x3e: {  	_ =	shalt  }
0x3f: {  	_ =	shalt  }
0x40: {  	_ =	shalt  }
0x41: {  	_ =	shalt  }
0x42: {  	_ =	shalt  }
0x43: {  	_ =	shalt  }
0x44: {  	_ =	shalt  }
0x45: {  	_ =	shalt  }
0x46: {  	_ =	shalt  }
0x47: {  	_ =	shalt  }
0x48: {  	_ =	shalt  }
0x49: {  	_ =	shalt  }
0x4a: {  	_ =	shalt  }
0x4b: {  	_ =	shalt  }
0x4c: {  	_ =	shalt  }
0x4d: {  	_ =	shalt  }
0x4e: {  	_ =	shalt  }
0x4f: {  	_ =	shalt  }
0x50: {  	_ =	shalt  }
0x51: {  	_ =	shalt  }
0x52: {  	_ =	shalt  }
0x53: {  	_ =	shalt  }
0x54: {  	_ =	shalt  }
0x55: {  	_ =	shalt  }
0x56: {  	_ =	shalt  }
0x57: {  	_ =	shalt  }
0x58: {  	_ =	shalt  }
0x59: {  	_ =	shalt  }
0x5a: {  	_ =	shalt  }
0x5b: {  	_ =	shalt  }
0x5c: {  	_ =	shalt  }
0x5d: {  	_ =	shalt  }
0x5e: {  	_ =	shalt  }
0x5f: {  	_ =	shalt  }
0x60: {  	_ =	shalt  }
0x61: {  	_ =	shalt  }
0x62: {  	_ =	shalt  }
0x63: {  	_ =	shalt  }
0x64: {  	_ =	shalt  }
0x65: {  	_ =	shalt  }
0x66: {  	_ =	shalt  }
0x67: {  	_ =	shalt  }
0x68: {  	_ =	shalt  }
0x69: {  	_ =	shalt  }
0x6a: {  	_ =	shalt  }
0x6b: {  	_ =	shalt  }
0x6c: {  	_ =	shalt  }
0x6d: {  	_ =	shalt  }
0x6e: {  	_ =	shalt  }
0x6f: {  	_ =	shalt  }
0x70: {  	_ =	shalt  }
0x71: {  	_ =	shalt  }
0x72: {  	_ =	shalt  }
0x73: {  	_ =	shalt  }
0x74: {  	_ =	shalt  }
0x75: {  	_ =	shalt  }
0x76: {  	_ =	shalt  }
0x77: {  	_ =	shalt  }
0x78: {  	_ =	shalt  }
0x79: {  	_ =	shalt  }
0x7a: {  	_ =	shalt  }
0x7b: {  	_ =	shalt  }
0x7c: {  	_ =	shalt  }
0x7d: {  	_ =	shalt  }
0x7e: {  	_ =	shalt  }
0x7f: {  	_ =	shalt  }
0x80: {  	_ =	shalt  }
0x81: {  	_ =	shalt  }
0x82: {  	_ =	shalt  }
0x83: {  	_ =	shalt  }
0x84: {  	_ =	shalt  }
0x85: {  	_ =	shalt  }
0x86: {  	_ =	shalt  }
0x87: {  	_ =	shalt  }
.Lfunc_end0:
.L_simem_size_0:
called_computation_lowered:
.L_overlay_start_0:
0x88: {  	s2 =	sld [smem:$0x3FD9]  }
0x89: {  	s3 =	sld [smem:$0x3FFE];
	_ =	sdelay $0x1  }
0x8a: {  	s1 =	srdreg.scid  }
0x8b: {  	s0 =	sand.u32 $0x1, s1  }
0x8c: {  	s18 =	sshll.u32 s0, $0xA;
	s2 =	sadd.s32 s3, s2  }
0x8d: {  	s2 =	sadd.s32 s2, s18  }
0x8e: {  	[smem:$0x3FC6] =	sst s2  }
0x8f: {  	_ = 	snop  }
0x90: {  	s2 =	sld [smem:$0x3FC9]  }
0x91: {  	s19 =	sld [smem:$0x3FC8]  }
0x92: {  	s4 =	sld [smem:$0x3FD0];
	(tm) =	ssettm $0x1  }
0x93: {  	s5 =	sld [smem:$0x3FFB];
	_ =	sdelay $0x3  }
0x94: {  	_ =	strace s5  }
0x95: {  	s5 =	sld [smem:$0x3FFC];
	_ =	sdelay $0x3  }
0x96: {  	_ =	strace s5  }
0x97: {  	s5 =	sld [smem:$0x3FFD];
	_ =	sdelay $0x3  }
0x98: {  	_ =	strace s5  }
0x99: {  	_ =	strace $0x8FFFFFFF  }
0x9a: {  	s20 =	sld [smem:$0x3FDB];
	_ =	sdelay $0x1  }
0x9b: {  	s6 =	simm.s32 $_scs_section_size  }
0x9c: {  	s7 =	simm.s32 $_size__tile_overlayer_lowered;
	s8 =	simm.s32 $_tile_overlayer_lowered  }
0x9d: {  	s23 =	simm.s32 $0x1BFF;
	s22 =	sshll.u32 s8, $0x1;
	s5 =	sadd.s32 s6, s20  }
0x9e: {  	s9 =	simm.s32 $0x0;
	s21 =	sshll.u32 s7, $0x1;
	s7 =	sadd.s32 s22, s5  }
0x9f: {  	[timem:s9], [sflag:s23] =	dma.local [hbm:s7], s21  }
0xa0: {  	_ =	swait.ge [sflag:s23], s21  }
0xa1: {  	s6 =	ssub.s32 $0x0, s21;
	[sflag:s23] =	ssyncset.done $0x0  }
0xa2: {  	[sflag:s23] =	ssyncadd.s32 s6;
	_ =	sdelay $0x1  }
0xa3: {  	s24 =	simm.s32 $0x1B8B  }
0xa4: {  	_ =	swait.ge [sflag:s24], $0x1  }
0xa5: {  	[sflag:s24] =	ssyncset.done $0x0  }
0xa6: {  	s25 =	simm.s32 $0x1B8E;
	[sflag:s24] =	ssyncadd.s32 $0xFFFFFFFF  }
0xa7: {  	s26 =	simm.s32 $execute0_lowered;
	[smem:$0x3FD2] =	sst s25  }
0xa8: {  	s6 =	sshll.u32 s26, $0x1;
	_ =	strace $0x80000046;
	[dreg:$0x1] =	wrdreg $0xFFFFFFFF  }
0xa9: {  	s28 =	simm.s32 $_size_execute0_lowered;
	s5 =	sadd.s32 s5, s6;
	[dreg:$0x0] =	wrdreg $0x0  }
0xaa: {  	s6 =	sshll.u32 s28, $0x1;
	[dreg:$0x2] =	wrdreg s5  }
0xab: {  	[dreg:$0x3] =	wrdreg s6  }
0xac: {  	[dreg:$0x4] =	wrdreg $0xC0  }
0xad: {  	_ =	task [dreg:s9], $0x5FFFF  }
0xae: {  	[dreg:$0x1] =	wrdreg $0xFFFFFFFF  }
0xaf: {  	[dreg:$0x0] =	wrdreg $0x60  }
0xb0: {  	[dreg:$0x2] =	wrdreg s19  }
0xb1: {  	[dreg:$0x3] =	wrdreg s2  }
0xb2: {  	[dreg:$0x4] =	wrdreg s4  }
0xb3: {  	[dreg:$0x5] =	wrdreg $0x9  }
0xb4: {  	_ =	task.clear_ibuf [dreg:s9], $0x6FFFF;
	_ =	strace $0x90000046  }
0xb5: {  	s29 =	simm.s32 $0x9;
	_ =	strace $0x80000048  }
0xb6: {  	_ =	swait.ge [sflag:s29], $0x1  }
0xb7: {  	[sflag:s29] =	ssyncadd.s32 $0xFFFFFFFF  }
0xb8: {  	_ =	strace $0x90000048  }
0xb9: {  	_ =	sfence  }
0xba: {  	s30 =	sld [smem:$0x0];
	_ =	sdelay $0x2  }
0xbb: {  	s31 =	sshll.u32 s1, $0xD;
	s1 =	sshrl.u32 s1, $0x2  }
0xbc: {  	s3 =	sand.u32 $0x4000, s31;
	s1 =	sadd.s32 s1, s30  }
0xbd: {  	s0 =	sor.u32 s3, s0;
	s1 =	sshll.u32 s1, $0x11  }
0xbe: {  	s0 =	sor.u32 s1, s0  }
0xbf: {  	s0 =	sadd.s32 $0x8F2B, s0  }
0xc0: {  	[sflag:s0] =	ssyncadd.remote.s32 $0x1  }
0xc1: {  	_ =	sfence.sel $0xFFFF  }
0xc2: {  	[dreg:$0x0] =	wrdreg $0xFFFFFFFF;
	(pc) =	sbr.abs _section_cstart, $3  }
0xc3: {  	[dreg:$0x1] =	wrdreg $0xFFFFFFFF  }
0xc4: {  	_ =	task.clear_ibuf [dreg:s9], $0x2FFFF;
	_ =	strace $0x9FFFFFFF  }
0xc5: {  	(tm) =	ssettm $0x7FFFFFFF  }
tec
execute0_lowered:
.L_overlay_start_1:
0x0: {  	(tag) =	ssettag $0x1  }
0x1: {  	s1 =	rddreg [dreg:$0x0]  }
0x2: {  	s0 =	rddreg [dreg:$0x1]  }
0x3: {  	s2 =	rddreg [dreg:$0x2]  }
0x4: {  	s3 =	srdreg.scid;
	s10 =	stileid.u32;
	s13 =	simm.s32 $0xB  }
0x5: {  	s14 =	simm.s32 $0x80;
	s15 =	simm.s32 $0x1C00;
	s16 =	simm.s32 $0x5C00  }
0x6: {  	s18 =	simm.s32 $0x9C00;
	s20 =	simm.s32 $0xDC00;
	s28 =	simm.s32 $0x1  }
0x7: {  	s29 =	simm.s32 $0x2;
	s30 =	simm.s32 $0x3;
	s31 =	simm.s32 $0x4  }
0x8: {  	s17 =	simm.s32 $0x7;
	s19 =	simm.s32 $0x8;
	s6 =	sand.u32 $0x1, s3  }
0x9: {  	s3 =	simm.s32 $0x0;
	s4 =	sshll.u32 s10, $0x8;
	s11 =	sshll.u32 s10, $0xC  }
0xa: {  	s5 =	sshll.u32 s6, $0x7;
	[smem:$0x7FF] =	sst s3;
	s7 =	ssub.s32 $0x2, s6  }
0xb: {  	s25 =	sadd.s32 s11, s2;
	s26 =	sshll.u32 s6, $0xB;
	s4 =	sor.u32 s5, s4  }
0xc: {  	_ =	strace $0x80000047;
	s21 =	sshrl.u32 s7, $0x1;
	s12 =	sadd.s32 s26, s25  }
0xd: {  	s8 =	sshll.u32 s4, $0x4;
	s7 =	ssub.s32 s7, s21;
	s4 =	sadd.s32 s0, s4  }
0xe: {  	s0 =	simm.s32 $0x5;
	s21 =	simm.s32 $0x9;
	s22 =	sadd.s32 s8, s2  }
0xf: {  	s5 =	sadd.s32 $0x1000, s4;
	s11 =	smax.u32 s7, $0x1;
	s2 =	simm.s32 $0x6  }
0x10: {  	s8 =	sadd.s32 $0x2D0000, s22;
	s23 =	sadd.s32 $0x2E0000, s22;
	s24 =	sadd.s32 $0x2F0000, s22  }
0x11: {  	s9 =	sadd.s32 $0x300000, s22;
	s10 =	sadd.s32 $0x310000, s22;
	[dreg:$0x4] =	wrdreg s8  }
0x12: {  	s22 =	simm.s32 $0x11C00;
	s25 =	sadd.s32 $0x5000, s5;
	[dreg:$0x5] =	wrdreg s23  }
0x13: {  	[dreg:$0x6] =	wrdreg s24;
	s23 =	simm.s32 $0xA;
	s24 =	simm.s32 $0x0  }
.LBB2_1:
0x14: {  	[tilespmem:s3], [sflag:$0xB] =	stream.linear.gather [hbm4b:s4+s3], $0x400, $0x38;
	[tilespmem:$0x15C00] =	vst v63  }
0x15: {  	_ =	swait.ge [sflag:s13], $0x400  }
0x16: {  	[sflag:s13] =	ssyncset.done $0x0  }
0x17: {  	[sflag:s13] =	ssyncadd.s32 $0xFFFFFC00  }
0x18: {  	[tilespmem:s15], [sflag:$0x1] =	stream.indirect.gather [hbm4b:s1+s14], $0x80, s3, s14, $0xb8;
	[tilespmem:$0x15C00] =	vst v63  }
0x19: {  	_ = 	snop  }
0x1a: {  	[tilespmem:s16], [sflag:$0x2] =	stream.indirect.gather [hbm4b:s1+s14], $0x80, s14, s14, $0xb8;
	[tilespmem:$0x15C00] =	vst v63  }
0x1b: {  	s6 =	simm.s32 $0x100  }
0x1c: {  	[tilespmem:s18], [sflag:$0x3] =	stream.indirect.gather [hbm4b:s1+s14], $0x80, s6, s14, $0xb8;
	[tilespmem:$0x15C00] =	vst v63  }
0x1d: {  	s7 =	simm.s32 $0x180  }
0x1e: {  	[tilespmem:s20], [sflag:$0x4] =	stream.indirect.gather [hbm4b:s1+s14], $0x80, s7, s14, $0xb8;
	[tilespmem:$0x15C00] =	vst v63  }
0x1f: {  	s8 =	simm.s32 $0x200  }
0x20: {  	[tilespmem:s22], [sflag:$0x5] =	stream.indirect.gather [hbm4b:s1+s14], $0x80, s8, s14, $0xb8;
	[tilespmem:$0x15C00] =	vst v63  }
0x21: {  	s26 =	simm.s32 $0x8000;
	s7 =	simm.s32 $0x400  }
0x22: {  	[tilespmem:s7], [sflag:$0xB] =	stream.strided.gather [hbm4b:s5+s7], $0x1400, s26, s7, $0x38;
	[tilespmem:$0x15C00] =	vst v63  }
0x23: {  	s7 =	simm.s32 $0x1800  }
0x24: {  	[tilespmem:s7], [sflag:$0xB] =	stream.linear.gather [hbm4b:s25+s3], $0x100, $0x38;
	[tilespmem:$0x15C00] =	vst v63  }
0x25: {  	_ =	swait.ge [sflag:s13], $0x1500  }
0x26: {  	[sflag:s13] =	ssyncset.done $0x0  }
0x27: {  	[sflag:s13] =	ssyncadd.s32 $0xFFFFEB00  }
0x28: {  	_ =	swait.ge [sflag:s28], $0x4000  }
0x29: {  	[sflag:s28] =	ssyncset.done $0x0  }
0x2a: {  	[sflag:s28] =	ssyncadd.s32 $0xFFFFC000  }
0x2b: {  	[hbm4b:s12+s3] =	stream.linear.scatter [tilespmem:s15], [sflag:$0x6], $0x4000, $0x38;
	[tilespmem:$0x15C00] =	vst v63  }
0x2c: {  	_ =	swait.ge [sflag:s29], $0x4000  }
0x2d: {  	[sflag:s29] =	ssyncset.done $0x0  }
0x2e: {  	s8 =	sadd.s32 $0x10000, s12;
	[sflag:s29] =	ssyncadd.s32 $0xFFFFC000  }
0x2f: {  	[hbm4b:s8+s3] =	stream.linear.scatter [tilespmem:s16], [sflag:$0x7], $0x4000, $0x38;
	[tilespmem:$0x15C00] =	vst v63  }
0x30: {  	_ =	swait.ge [sflag:s30], $0x4000  }
0x31: {  	[sflag:s30] =	ssyncset.done $0x0  }
0x32: {  	s26 =	sadd.s32 $0x20000, s12;
	[sflag:s30] =	ssyncadd.s32 $0xFFFFC000  }
0x33: {  	[hbm4b:s26+s3] =	stream.linear.scatter [tilespmem:s18], [sflag:$0x8], $0x4000, $0x38;
	[tilespmem:$0x15C00] =	vst v63  }
0x34: {  	_ =	swait.ge [sflag:s31], $0x4000  }
0x35: {  	[sflag:s31] =	ssyncset.done $0x0  }
0x36: {  	s7 =	sadd.s32 $0x30000, s12;
	[sflag:s31] =	ssyncadd.s32 $0xFFFFC000  }
0x37: {  	[hbm4b:s7+s3] =	stream.linear.scatter [tilespmem:s20], [sflag:$0x9], $0x4000, $0x38;
	[tilespmem:$0x15C00] =	vst v63  }
0x38: {  	_ =	swait.ge [sflag:s0], $0x4000  }
0x39: {  	[sflag:s0] =	ssyncset.done $0x0  }
0x3a: {  	s8 =	sadd.s32 $0x40000, s12;
	[sflag:s0] =	ssyncadd.s32 $0xFFFFC000  }
0x3b: {  	[hbm4b:s8+s3] =	stream.linear.scatter [tilespmem:s22], [sflag:$0xA], $0x4000, $0x38;
	[tilespmem:$0x15C00] =	vst v63  }
0x3c: {  	_ =	swait.ge [sflag:s2], $0x4000  }
0x3d: {  	[sflag:s2] =	ssyncset.done $0x0  }
0x3e: {  	s26 =	simm.s32 $0x280;
	[sflag:s2] =	ssyncadd.s32 $0xFFFFC000  }
0x3f: {  	[tilespmem:s15], [sflag:$0x1] =	stream.indirect.gather [hbm4b:s1+s14], $0x80, s26, s14, $0xb8;
	[tilespmem:$0x15C00] =	vst v63  }
0x40: {  	_ =	swait.ge [sflag:s17], $0x4000  }
0x41: {  	[sflag:s17] =	ssyncset.done $0x0  }
0x42: {  	s7 =	simm.s32 $0x300;
	[sflag:s17] =	ssyncadd.s32 $0xFFFFC000  }
0x43: {  	[tilespmem:s16], [sflag:$0x2] =	stream.indirect.gather [hbm4b:s1+s14], $0x80, s7, s14, $0xb8;
	[tilespmem:$0x15C00] =	vst v63  }
0x44: {  	_ =	swait.ge [sflag:s19], $0x4000  }
0x45: {  	[sflag:s19] =	ssyncset.done $0x0  }
0x46: {  	s8 =	simm.s32 $0x380;
	[sflag:s19] =	ssyncadd.s32 $0xFFFFC000  }
0x47: {  	[tilespmem:s18], [sflag:$0x3] =	stream.indirect.gather [hbm4b:s1+s14], $0x80, s8, s14, $0xb8;
	[tilespmem:$0x15C00] =	vst v63  }
0x48: {  	_ =	swait.ge [sflag:s21], $0x4000  }
0x49: {  	[sflag:s21] =	ssyncset.done $0x0  }
0x4a: {  	s26 =	simm.s32 $0x400;
	[sflag:s21] =	ssyncadd.s32 $0xFFFFC000  }
0x4b: {  	[tilespmem:s20], [sflag:$0x4] =	stream.indirect.gather [hbm4b:s1+s14], $0x80, s26, s14, $0xb8;
	[tilespmem:$0x15C00] =	vst v63  }
0x4c: {  	_ =	swait.ge [sflag:s23], $0x4000  }
0x4d: {  	s6 =	sadd.s32 $0x50000, s12;
	[sflag:s23] =	ssyncset.done $0x0  }
0x4e: {  	s7 =	simm.s32 $0x480;
	s26 =	simm.s32 $0xA00;
	[sflag:s23] =	ssyncadd.s32 $0xFFFFC000  }
.LBB2_2:
0x4f: {  	[tilespmem:s22], [sflag:$0x5] =	stream.indirect.gather [hbm4b:s1+s14], $0x80, s7, s14, $0xb8;
	[tilespmem:$0x15C00] =	vst v63  }
0x50: {  	s7 =	smov.u32 s26  }
0x51: {  	p0 =	sne.s32 s26, $0x5000;
	s26 =	sadd.s32 $0xA00, s26;
	_ =	swait.ge [sflag:s28], $0x4000  }
0x52: {  	[sflag:s28] =	ssyncset.done $0x0  }
0x53: {  	[sflag:s28] =	ssyncadd.s32 $0xFFFFC000  }
0x54: {  	[hbm4b:s6+s3] =	stream.linear.scatter [tilespmem:s15], [sflag:$0x6], $0x4000, $0x38;
	[tilespmem:$0x15C00] =	vst v63  }
0x55: {  	_ =	swait.ge [sflag:s29], $0x4000  }
0x56: {  	[sflag:s29] =	ssyncset.done $0x0  }
0x57: {  	s8 =	sadd.s32 $0x10000, s6;
	[sflag:s29] =	ssyncadd.s32 $0xFFFFC000  }
0x58: {  	[hbm4b:s8+s3] =	stream.linear.scatter [tilespmem:s16], [sflag:$0x7], $0x4000, $0x38;
	[tilespmem:$0x15C00] =	vst v63  }
0x59: {  	_ =	swait.ge [sflag:s30], $0x4000  }
0x5a: {  	[sflag:s30] =	ssyncset.done $0x0  }
0x5b: {  	s8 =	sadd.s32 $0x20000, s6;
	[sflag:s30] =	ssyncadd.s32 $0xFFFFC000  }
0x5c: {  	[hbm4b:s8+s3] =	stream.linear.scatter [tilespmem:s18], [sflag:$0x8], $0x4000, $0x38;
	[tilespmem:$0x15C00] =	vst v63  }
0x5d: {  	_ =	swait.ge [sflag:s31], $0x4000  }
0x5e: {  	[sflag:s31] =	ssyncset.done $0x0  }
0x5f: {  	s8 =	sadd.s32 $0x30000, s6;
	[sflag:s31] =	ssyncadd.s32 $0xFFFFC000  }
0x60: {  	[hbm4b:s8+s3] =	stream.linear.scatter [tilespmem:s20], [sflag:$0x9], $0x4000, $0x38;
	[tilespmem:$0x15C00] =	vst v63  }
0x61: {  	_ =	swait.ge [sflag:s0], $0x4000  }
0x62: {  	[sflag:s0] =	ssyncset.done $0x0  }
0x63: {  	s8 =	sadd.s32 $0x40000, s6;
	[sflag:s0] =	ssyncadd.s32 $0xFFFFC000  }
0x64: {  	[hbm4b:s8+s3] =	stream.linear.scatter [tilespmem:s22], [sflag:$0xA], $0x4000, $0x38;
	[tilespmem:$0x15C00] =	vst v63  }
0x65: {  	_ =	swait.ge [sflag:s2], $0x4000  }
0x66: {  	s7 =	sshra.s32 s7, $0x2;
	[sflag:s2] =	ssyncset.done $0x0  }
0x67: {  	s8 =	sadd.s32 $0x280, s7;
	[sflag:s2] =	ssyncadd.s32 $0xFFFFC000  }
0x68: {  	[tilespmem:s15], [sflag:$0x1] =	stream.indirect.gather [hbm4b:s1+s14], $0x80, s8, s14, $0xb8;
	[tilespmem:$0x15C00] =	vst v63  }
0x69: {  	_ =	swait.ge [sflag:s17], $0x4000  }
0x6a: {  	[sflag:s17] =	ssyncset.done $0x0  }
0x6b: {  	s8 =	sadd.s32 $0x300, s7;
	[sflag:s17] =	ssyncadd.s32 $0xFFFFC000  }
0x6c: {  	[tilespmem:s16], [sflag:$0x2] =	stream.indirect.gather [hbm4b:s1+s14], $0x80, s8, s14, $0xb8;
	[tilespmem:$0x15C00] =	vst v63  }
0x6d: {  	_ =	swait.ge [sflag:s19], $0x4000  }
0x6e: {  	[sflag:s19] =	ssyncset.done $0x0  }
0x6f: {  	s8 =	sadd.s32 $0x380, s7;
	[sflag:s19] =	ssyncadd.s32 $0xFFFFC000  }
0x70: {  	[tilespmem:s18], [sflag:$0x3] =	stream.indirect.gather [hbm4b:s1+s14], $0x80, s8, s14, $0xb8;
	[tilespmem:$0x15C00] =	vst v63  }
0x71: {  	_ =	swait.ge [sflag:s21], $0x4000  }
0x72: {  	[sflag:s21] =	ssyncset.done $0x0  }
.Ltmp0:
0x73: {  	s8 =	sadd.s32 $0x400, s7;
	[sflag:s21] =	ssyncadd.s32 $0xFFFFC000;
	(pc) =	sbr.rel @p0 .LBB2_2-.Ltmp0, $4  }
0x74: {  	[tilespmem:s20], [sflag:$0x4] =	stream.indirect.gather [hbm4b:s1+s14], $0x80, s8, s14, $0xb8;
	[tilespmem:$0x15C00] =	vst v63  }
0x75: {  	_ =	swait.ge [sflag:s23], $0x4000  }
0x76: {  	[sflag:s23] =	ssyncset.done $0x0  }
0x77: {  	s6 =	sadd.s32 $0x50000, s6;
	s7 =	sadd.s32 $0x480, s7;
	[sflag:s23] =	ssyncadd.s32 $0xFFFFC000  }
0x78: {  	[tilespmem:s22], [sflag:$0x5] =	stream.indirect.gather [hbm4b:s1+s14], $0x80, s7, s14, $0xb8;
	[tilespmem:$0x15C00] =	vst v63  }
0x79: {  	_ =	swait.ge [sflag:s28], $0x4000  }
0x7a: {  	[sflag:s28] =	ssyncset.done $0x0  }
0x7b: {  	s6 =	rddreg [dreg:$0x4];
	[sflag:s28] =	ssyncadd.s32 $0xFFFFC000  }
0x7c: {  	[hbm4b:s6+s3] =	stream.linear.scatter [tilespmem:s15], [sflag:$0x6], $0x4000, $0x38;
	[tilespmem:$0x15C00] =	vst v63  }
0x7d: {  	_ =	swait.ge [sflag:s29], $0x4000  }
0x7e: {  	[sflag:s29] =	ssyncset.done $0x0  }
0x7f: {  	s8 =	rddreg [dreg:$0x5];
	[sflag:s29] =	ssyncadd.s32 $0xFFFFC000  }
0x80: {  	[hbm4b:s8+s3] =	stream.linear.scatter [tilespmem:s16], [sflag:$0x7], $0x4000, $0x38;
	[tilespmem:$0x15C00] =	vst v63  }
0x81: {  	_ =	swait.ge [sflag:s30], $0x4000  }
0x82: {  	[sflag:s30] =	ssyncset.done $0x0  }
0x83: {  	s26 =	rddreg [dreg:$0x6];
	[sflag:s30] =	ssyncadd.s32 $0xFFFFC000  }
0x84: {  	[hbm4b:s26+s3] =	stream.linear.scatter [tilespmem:s18], [sflag:$0x8], $0x4000, $0x38;
	[tilespmem:$0x15C00] =	vst v63  }
0x85: {  	_ =	swait.ge [sflag:s31], $0x4000  }
0x86: {  	[sflag:s31] =	ssyncset.done $0x0  }
0x87: {  	[sflag:s31] =	ssyncadd.s32 $0xFFFFC000  }
0x88: {  	[hbm4b:s9+s3] =	stream.linear.scatter [tilespmem:s20], [sflag:$0x9], $0x4000, $0x38;
	[tilespmem:$0x15C00] =	vst v63  }
0x89: {  	_ =	swait.ge [sflag:s0], $0x4000  }
0x8a: {  	[sflag:s0] =	ssyncset.done $0x0  }
0x8b: {  	[sflag:s0] =	ssyncadd.s32 $0xFFFFC000  }
0x8c: {  	[hbm4b:s10+s3] =	stream.linear.scatter [tilespmem:s22], [sflag:$0xA], $0x4000, $0x38;
	[tilespmem:$0x15C00] =	vst v63  }
0x8d: {  	_ =	swait.ge [sflag:s2], $0x4000  }
0x8e: {  	[sflag:s2] =	ssyncset.done $0x0  }
0x8f: {  	[sflag:s2] =	ssyncadd.s32 $0xFFFFC000  }
0x90: {  	_ =	swait.ge [sflag:s17], $0x4000  }
0x91: {  	[sflag:s17] =	ssyncset.done $0x0  }
0x92: {  	[sflag:s17] =	ssyncadd.s32 $0xFFFFC000  }
0x93: {  	_ =	swait.ge [sflag:s19], $0x4000  }
0x94: {  	[sflag:s19] =	ssyncset.done $0x0  }
0x95: {  	s24 =	sadd.s32 $0x1, s24;
	[sflag:s19] =	ssyncadd.s32 $0xFFFFC000  }
0x96: {  	p0 =	sne.s32 s24, s11;
	_ =	swait.ge [sflag:s21], $0x4000  }
.Ltmp1:
0x97: {  	[sflag:s21] =	ssyncset.done $0x0;
	(pc) =	sbr.rel @p0 .LBB2_1-.Ltmp1, $4  }
0x98: {  	[sflag:s21] =	ssyncadd.s32 $0xFFFFC000  }
0x99: {  	_ =	swait.ge [sflag:s23], $0x4000  }
0x9a: {  	[sflag:s23] =	ssyncset.done $0x0  }
0x9b: {  	[sflag:s23] =	ssyncadd.s32 $0xFFFFC000  }
0x9c: {  	_ =	sfence.sel $0x180000  }
0x9d: {  	[bflag:$0x0] =	sbarrier.arrive $0xFFFF  }
0x9e: {  	_ =	strace $0x90000047  }
0x9f: {  	s0 =	stileid.u32;
	[bflag:$0x2] =	sbarrier.arrive $0xFFFF  }
0xa0: {  	p0 =	sne.s32 s0, $0x0;
	s0 =	rddreg [dreg:$0x3]  }
0xa1: {  	s0 =	sadd.s32 @!p0 $0x100000, s0  }
0xa2: {  	[sflag:s0] =	ssyncadd.tile.s32 @!p0 $0x1;
	_ =	shalt  }
.Lfunc_end2:
_tile_overlayer_lowered:
.L_overlay_start_2:
0xa3: {  	(tag) =	ssettag $0x2  }
0xa4: {  	s0 =	rddreg [dreg:$0x0];
	s2 =	stileid.u32  }
0xa5: {  	s1 =	rddreg [dreg:$0x1];
	p0 =	sne.s32 s2, $0x0  }
0xa6: {  	s3 =	rddreg [dreg:$0x2];
	[bflag:$0x3] =	sbarrier.arrive $0xFFFF;
	s2 =	simm.s32 @!p0 $0x1C0B  }
0xa7: {  	[timem:s3], [sflag:s2] =	dma.local @!p0 [hbm:s0], s1  }
0xa8: {  	s0 =	simm.s32 @!p0 $0xB  }
0xa9: {  	_ =	swait.ge @!p0 [sflag:s0], s1  }
0xaa: {  	s1 =	ssub.s32 @!p0 $0x0, s1;
	[sflag:s0] =	ssyncset.done @!p0 $0x0  }
0xab: {  	[sflag:s0] =	ssyncadd.s32 @!p0 s1  }
0xac: {  	[bflag:$0x3] =	sbarrier.arrive $0xFFFF  }
0xad: {  	_ =	shalt  }

</sc_bundles>
